<compile_context>
chip_gen: v7x
topology: tpu7x:2x2x1
jax: 0.10.2.dev20260603
libtpu: 0.0.44.dev20260713+nightly
codegen_flags: <defaults>
</compile_context>

<pallas_src>
import jax
import jax.numpy as jnp
from jax import lax
from jax.experimental import pallas as pl
from jax.experimental.pallas import tpu as pltpu
from jax.experimental.pallas import tpu_sc as plsc

B, N, DIM = 16, 1024, 384
H, E, K = 2, 64, 8192
M = B * N
BM = 2048
KC = 1024
NKC = K // KC
GM = M // BM

_PREC = lax.Precision.DEFAULT


def _tc_body(x_ref, proj_ref, cbt_ref, ind_ref, loss_ref):
    m = pl.program_id(0)
    h = pl.program_id(1)
    xb = x_ref[...]
    proj = proj_ref[0]
    xp = jnp.dot(xb, proj, preferred_element_type=jnp.float32,
                 precision=_PREC)
    x2 = jnp.sum(xp * xp, axis=1, keepdims=True)

    best = jnp.full((BM, 1), -jnp.inf, dtype=jnp.float32)
    bidxf = jnp.zeros((BM, 1), dtype=jnp.float32)
    iif = lax.broadcasted_iota(jnp.int32, (BM, KC), 1).astype(jnp.float32)
    for kc in range(NKC):
        cbt = cbt_ref[:, kc * KC:(kc + 1) * KC]
        e2h = 0.5 * jnp.sum(cbt * cbt, axis=0, keepdims=True)
        s = jnp.dot(xp, cbt, preferred_element_type=jnp.float32,
                    precision=_PREC) - e2h
        mx = jnp.max(s, axis=1, keepdims=True)
        idxf = jnp.min(jnp.where(s == mx, iif, jnp.float32(K)),
                       axis=1, keepdims=True) + jnp.float32(kc * KC)
        take = mx > best
        best = jnp.where(take, mx, best)
        bidxf = jnp.where(take, idxf, bidxf)

    ind_ref[0, 0, :] = bidxf[:, 0].astype(jnp.int32)

    @pl.when((m == 0) & (h == 0))
    def _init():
        loss_ref[...] = jnp.zeros((1, 1), jnp.float32)

    loss_ref[...] += jnp.reshape(jnp.sum(x2 - 2.0 * best), (1, 1))

    @pl.when((m == GM - 1) & (h == H - 1))
    def _final():
        loss_ref[...] = loss_ref[...] * (1.0 / (M * H * E))


def _tc_argmax(x2d, projs, cbt):
    return pl.pallas_call(
        _tc_body,
        grid=(GM, H),
        in_specs=[
            pl.BlockSpec((BM, DIM), lambda m, h: (m, 0)),
            pl.BlockSpec((1, DIM, E), lambda m, h: (h, 0, 0)),
            pl.BlockSpec((E, K), lambda m, h: (0, 0)),
        ],
        out_specs=[
            pl.BlockSpec((1, 1, BM), lambda m, h: (h * GM + m, 0, 0)),
            pl.BlockSpec((1, 1), lambda m, h: (0, 0)),
        ],
        out_shape=[
            jax.ShapeDtypeStruct((H * GM, 1, BM), jnp.int32),
            jax.ShapeDtypeStruct((1, 1), jnp.float32),
        ],
        compiler_params=pltpu.CompilerParams(
            dimension_semantics=("arbitrary", "arbitrary")),
    )(x2d, projs, cbt)


import functools


EP = 128


@functools.cache
def _make_sc_gather():
    info = plsc.get_sparse_core_info()
    nw = info.num_cores * info.num_subcores
    rb = (M * H) // nw

    def _sc_gather_body(table_hbm, idx_hbm, out_hbm, idx_v, rows_v, sem):
        wid = lax.axis_index("s") * info.num_cores + lax.axis_index("c")
        base = wid * rb
        pltpu.sync_copy(idx_hbm.at[pl.ds(base, rb)], idx_v)
        pltpu.async_copy(table_hbm.at[idx_v], rows_v, sem).wait()
        pltpu.sync_copy(rows_v, out_hbm.at[pl.ds(base, rb)])

    return pl.kernel(
        _sc_gather_body,
        out_type=jax.ShapeDtypeStruct((M * H, E), jnp.float32),
        mesh=plsc.VectorSubcoreMesh(core_axis_name="c", subcore_axis_name="s"),
        scratch_types=[
            pltpu.VMEM((rb,), jnp.int32),
            pltpu.VMEM((rb, E), jnp.float32),
            pltpu.SemaphoreType.DMA,
        ],
        compiler_params=pltpu.CompilerParams(use_tc_tiling_on_sc=False),
    )


def kernel(x, rand_projs, codebook):
    x2d = x.reshape(M, DIM)
    cbt = codebook.T
    ind3, loss = _tc_argmax(x2d, rand_projs, cbt)
    idx_mh = ind3.reshape(H, M).T
    embed_ind = idx_mh.reshape(B, N, H)
    idx_flat = idx_mh.reshape(M * H)
    zrows = _make_sc_gather()(codebook, idx_flat)
    z_q = zrows.reshape(B, N, H * E)
    return z_q, embed_ind, loss[0, 0]

# --- scband reference (transcript-rebuilt; emitter-appended) ---
"""Pipeline reference for scband-random-vq-18442589569129 (READ-ONLY COPY).

The authoritative reference and input builder live on the scoring server;
editing this copy changes nothing except your own understanding.
"""

import jax, jax.numpy as jnp
import numpy as np

B, N, DIM = 16, 1024, 384
H, E, K = 2, 64, 8192

def setup_inputs(seed: int = 0) -> dict:
    key = jax.random.key(seed)
    k1, k2, k3 = jax.random.split(key, 3)
    x = jax.random.normal(k1, (B, N, DIM), dtype=jnp.float32)
    # xavier_normal_ init for rand_projs buffer: std = sqrt(2/(fan_in+fan_out))
    std = (2.0 / (DIM + E)) ** 0.5
    rand_projs = jax.random.normal(k2, (H, DIM, E), dtype=jnp.float32) * std
    # frozen (non-learnable) shared codebook across heads
    codebook = jax.random.normal(k3, (K, E), dtype=jnp.float32)
    return {"x": x, "rand_projs": rand_projs, "codebook": codebook}

def reference(x, rand_projs, codebook):
    # norm=False -> Identity
    # random projection: einsum('b n d, h d e -> b n h e')
    xp = jnp.einsum('bnd,hde->bnhe', x, rand_projs)  # [B, N, H, E]
    # VQ with heads=H, separate_codebook_per_head=False (single shared euclidean codebook)
    # negative squared euclidean distance to each code
    x2 = jnp.sum(xp * xp, axis=-1, keepdims=True)            # [B, N, H, 1]
    e2 = jnp.sum(codebook * codebook, axis=-1)               # [K]
    xe = jnp.einsum('bnhe,ke->bnhk', xp, codebook)           # [B, N, H, K]
    dist = -(x2 - 2.0 * xe + e2[None, None, None, :])        # [B, N, H, K]
    embed_ind = jnp.argmax(dist, axis=-1)                    # [B, N, H] int
    quantize = jnp.take(codebook, embed_ind, axis=0)         # [B, N, H, E]
    # straight-through estimator
    quantize_st = xp + jax.lax.stop_gradient(quantize - xp)
    # commitment loss (commitment_weight=1.0, codebook frozen)
    commit_loss = jnp.mean((jax.lax.stop_gradient(quantize) - xp) ** 2)
    # unpack back: 'b n (h e)'
    z_q = quantize_st.reshape(B, N, H * E)
    return z_q, embed_ind, commit_loss

if __name__ == "__main__":
    import jax
    _d = setup_inputs()
    print(jax.jit(kernel)(*tuple(_d.values())))

</pallas_src>

<mosaic_0001>
#map = affine_map<(d0, d1) -> (0, 0)>
#map1 = affine_map<(d0, d1) -> (0)>
module attributes {stable_mosaic.version = 14 : i64} {
  func.func @_sc_gather_body(%arg0: i32, %arg1: i32, %arg2: memref<8192x64xf32, #tpu.memory_space<hbm>>, %arg3: memref<32768xi32, #tpu.memory_space<hbm>>, %arg4: memref<32768x64xf32, #tpu.memory_space<hbm>>, %arg5: memref<1024xi32, #tpu.memory_space<vmem>>, %arg6: memref<1024x64xf32, #tpu.memory_space<vmem>>, %arg7: memref<!tpu.dma_semaphore, #tpu.memory_space<semaphore_mem>>) attributes {dimension_semantics = [#tpu.dimension_semantics<core_parallel>, #tpu.dimension_semantics<subcore_parallel>], iteration_bounds = array<i64: 2, 16>, scalar_prefetch = 0 : i64, scratch_operands = 3 : i64, tpu.core_type = #tpu.core_type<sc_vector_subcore>, window_params = [{transform_indices = #map}, {transform_indices = #map1}, {transform_indices = #map}]} {
    %mul3A = arith.constant 2 : i32
    %mul3A_0 = arith.muli %arg1, %mul3A : i32
    %add3A = arith.addi %mul3A_0, %arg0 : i32
    %mul3A_1 = arith.constant 1024 : i32
    %mul3A_2 = arith.muli %add3A, %mul3A_1 : i32
    "tpu.region"() ({
      %run_scoped3A = tpu.sem_alloc : memref<!tpu.dma_semaphore, #tpu.memory_space<semaphore_mem>>
      %dma_start3A_7 = tpu.memref_slice %arg3[%mul3A_2] : memref<32768xi32, #tpu.memory_space<hbm>> -> memref<1024xi32, #tpu.memory_space<hbm>>
      %dma_start3A_8 = tpu.memref_slice %arg3[%mul3A_2] : memref<32768xi32, #tpu.memory_space<hbm>> -> memref<1024xi32, #tpu.memory_space<hbm>>
      tpu.enqueue_dma source(%dma_start3A_8 : memref<1024xi32, #tpu.memory_space<hbm>>) target(%arg5 : memref<1024xi32, #tpu.memory_space<vmem>>) target_semaphore(%run_scoped3A : memref<!tpu.dma_semaphore, #tpu.memory_space<semaphore_mem>>)
      %dma_wait3A_9 = tpu.memref_slice %arg3[%mul3A_2] : memref<32768xi32, #tpu.memory_space<hbm>> -> memref<1024xi32, #tpu.memory_space<hbm>>
      %dma_wait3A_10 = tpu.memref_slice %arg3[%mul3A_2] : memref<32768xi32, #tpu.memory_space<hbm>> -> memref<1024xi32, #tpu.memory_space<hbm>>
      tpu.wait_dma2 semaphore(%run_scoped3A : memref<!tpu.dma_semaphore, #tpu.memory_space<semaphore_mem>>) src(%dma_wait3A_10 : memref<1024xi32, #tpu.memory_space<hbm>>) dst(%arg5 : memref<1024xi32, #tpu.memory_space<vmem>>)
      tpu.yield
    }) : () -> ()
    %dma_start3A = arith.constant 0 : i32
    %dma_start3A_3 = arith.constant 0 : i32
    %dma_start3A_4 = tpu.memref_slice %arg2[%dma_start3A, %dma_start3A_3] : memref<8192x64xf32, #tpu.memory_space<hbm>> -> memref<8192x64xf32, #tpu.memory_space<hbm>>
    tpu.enqueue_indirect_dma source(%dma_start3A_4 : memref<8192x64xf32, #tpu.memory_space<hbm>>) target(%arg6 : memref<1024x64xf32, #tpu.memory_space<vmem>>) offsets(%arg5 : memref<1024xi32, #tpu.memory_space<vmem>>) semaphore(%arg7 : memref<!tpu.dma_semaphore, #tpu.memory_space<semaphore_mem>>)
    %dma_wait3A = arith.constant 0 : i32
    %dma_wait3A_5 = arith.constant 0 : i32
    %dma_wait3A_6 = tpu.memref_slice %arg2[%dma_wait3A, %dma_wait3A_5] : memref<8192x64xf32, #tpu.memory_space<hbm>> -> memref<8192x64xf32, #tpu.memory_space<hbm>>
    tpu.wait_indirect_dma semaphore(%arg7 : memref<!tpu.dma_semaphore, #tpu.memory_space<semaphore_mem>>) src(%dma_wait3A_6 : memref<8192x64xf32, #tpu.memory_space<hbm>>) dst(%arg6 : memref<1024x64xf32, #tpu.memory_space<vmem>>)
    "tpu.region"() ({
      %run_scoped3A = tpu.sem_alloc : memref<!tpu.dma_semaphore, #tpu.memory_space<semaphore_mem>>
      %dma_start3A_7 = arith.constant 0 : i32
      %dma_start3A_8 = tpu.memref_slice %arg4[%mul3A_2, %dma_start3A_7] : memref<32768x64xf32, #tpu.memory_space<hbm>> -> memref<1024x64xf32, #tpu.memory_space<hbm>>
      %dma_start3A_9 = arith.constant 0 : i32
      %dma_start3A_10 = tpu.memref_slice %arg4[%mul3A_2, %dma_start3A_9] : memref<32768x64xf32, #tpu.memory_space<hbm>> -> memref<1024x64xf32, #tpu.memory_space<hbm>>
      tpu.enqueue_dma source(%arg6 : memref<1024x64xf32, #tpu.memory_space<vmem>>) target(%dma_start3A_10 : memref<1024x64xf32, #tpu.memory_space<hbm>>) target_semaphore(%run_scoped3A : memref<!tpu.dma_semaphore, #tpu.memory_space<semaphore_mem>>)
      %dma_wait3A_11 = arith.constant 0 : i32
      %dma_wait3A_12 = tpu.memref_slice %arg4[%mul3A_2, %dma_wait3A_11] : memref<32768x64xf32, #tpu.memory_space<hbm>> -> memref<1024x64xf32, #tpu.memory_space<hbm>>
      %dma_wait3A_13 = arith.constant 0 : i32
      %dma_wait3A_14 = tpu.memref_slice %arg4[%mul3A_2, %dma_wait3A_13] : memref<32768x64xf32, #tpu.memory_space<hbm>> -> memref<1024x64xf32, #tpu.memory_space<hbm>>
      tpu.wait_dma2 semaphore(%run_scoped3A : memref<!tpu.dma_semaphore, #tpu.memory_space<semaphore_mem>>) src(%arg6 : memref<1024x64xf32, #tpu.memory_space<vmem>>) dst(%dma_wait3A_14 : memref<1024x64xf32, #tpu.memory_space<hbm>>)
      tpu.yield
    }) : () -> ()
    return
  }
}

module attributes {stable_mosaic.version = 14 : i64} {
  func.func @_tc_body(%arg0: i32, %arg1: i32, %arg2: memref<2048x384xf32, #tpu.memory_space<vmem>>, %arg3: memref<1x384x64xf32, #tpu.memory_space<vmem>>, %arg4: memref<64x8192xf32, #tpu.memory_space<vmem>>, %arg5: memref<1x1x2048xi32, #tpu.memory_space<vmem>>, %arg6: memref<1x1xf32, #tpu.memory_space<vmem>>) attributes {dimension_semantics = [#tpu.dimension_semantics<arbitrary>, #tpu.dimension_semantics<arbitrary>], iteration_bounds = array<i64: 8, 2>, scalar_prefetch = 0 : i64, scratch_operands = 0 : i64, tpu.core_type = #tpu.core_type<tc>, window_params = [{transform_indices = @transform_0, window_bounds = array<i64: 2048, 384>}, {transform_indices = @transform_1, window_bounds = array<i64: 1, 384, 64>}, {pipeline_mode = #tpu.pipeline_mode<synchronous>, transform_indices = @transform_2, window_bounds = array<i64: 64, 8192>}, {transform_indices = @transform_3, window_bounds = array<i64: 1, 1, 2048>}, {pipeline_mode = #tpu.pipeline_mode<synchronous>, transform_indices = @transform_4, window_bounds = array<i64: 1, 1>}]} {
    %get3A = arith.constant 0 : index
    %get3A_0 = arith.constant 0 : index
    %get3A_1 = vector.load %arg2[%get3A, %get3A_0] : memref<2048x384xf32, #tpu.memory_space<vmem>>, vector<2048x384xf32>
    %get3A_2 = arith.constant 0 : index
    %get3A_3 = arith.constant 0 : index
    %get3A_4 = arith.constant 0 : index
    %get3A_5 = vector.load %arg3[%get3A_2, %get3A_3, %get3A_4] : memref<1x384x64xf32, #tpu.memory_space<vmem>>, vector<1x384x64xf32>
    %get3A_6 = vector.shape_cast %get3A_5 : vector<1x384x64xf32> to vector<384x64xf32>
    %dot_general3A = arith.constant dense<0.000000e+00> : vector<2048x64xf32>
    %dot_general3A_7 = tpu.matmul %get3A_1, %get3A_6, %dot_general3A {dimension_numbers = #tpu.dot_dimension_numbers<[1], [0], [0], [1], [0, 0, 1, 1], [], []>, transpose_lhs_hint = false} : vector<2048x384xf32>, vector<384x64xf32>, vector<2048x64xf32> -> vector<2048x64xf32>
    %mul3A = arith.mulf %dot_general3A_7, %dot_general3A_7 : vector<2048x64xf32>
    %reduce_sum3A = arith.constant dense<0.000000e+00> : vector<2048xf32>
    %reduce_sum3A_8 = vector.multi_reduction <add>, %mul3A, %reduce_sum3A [1] : vector<2048x64xf32> to vector<2048xf32>
    %broadcast_in_dim3A = vector.shape_cast %reduce_sum3A_8 : vector<2048xf32> to vector<2048x1xf32>
    %broadcast_in_dim3A_9 = arith.constant 0xFF800000 : f32
    %broadcast_in_dim3A_10 = vector.broadcast %broadcast_in_dim3A_9 : f32 to vector<2048x1xf32>
    %broadcast_in_dim3A_11 = arith.constant 0.000000e+00 : f32
    %broadcast_in_dim3A_12 = vector.broadcast %broadcast_in_dim3A_11 : f32 to vector<2048x1xf32>
    %iota3A = tpu.iota {dimensions = array<i32: 1>} : vector<2048x1024xi32>
    %convert_element_type3A = arith.sitofp %iota3A : vector<2048x1024xi32> to vector<2048x1024xf32>
    %get3A_13 = arith.constant 0 : index
    %get3A_14 = arith.constant 0 : index
    %get3A_15 = vector.load %arg4[%get3A_13, %get3A_14] : memref<64x8192xf32, #tpu.memory_space<vmem>>, vector<64x1024xf32>
    %mul3A_16 = arith.mulf %get3A_15, %get3A_15 : vector<64x1024xf32>
    %reduce_sum3A_17 = arith.constant dense<0.000000e+00> : vector<1024xf32>
    %reduce_sum3A_18 = vector.multi_reduction <add>, %mul3A_16, %reduce_sum3A_17 [0] : vector<64x1024xf32> to vector<1024xf32>
    %broadcast_in_dim3A_19 = vector.shape_cast %reduce_sum3A_18 : vector<1024xf32> to vector<1x1024xf32>
    %mul3A_20 = arith.constant 5.000000e-01 : f32
    %mul3A_21 = vector.broadcast %mul3A_20 : f32 to vector<1x1024xf32>
    %mul3A_22 = arith.mulf %mul3A_21, %broadcast_in_dim3A_19 : vector<1x1024xf32>
    %dot_general3A_23 = arith.constant dense<0.000000e+00> : vector<2048x1024xf32>
    %dot_general3A_24 = tpu.matmul %dot_general3A_7, %get3A_15, %dot_general3A_23 {dimension_numbers = #tpu.dot_dimension_numbers<[1], [0], [0], [1], [0, 0, 1, 1], [], []>, transpose_lhs_hint = false} : vector<2048x64xf32>, vector<64x1024xf32>, vector<2048x1024xf32> -> vector<2048x1024xf32>
    %sub3A = vector.broadcast %mul3A_22 : vector<1x1024xf32> to vector<2048x1024xf32>
    %sub3A_25 = arith.subf %dot_general3A_24, %sub3A : vector<2048x1024xf32>
    %reduce_max3A = arith.constant dense<0xFF800000> : vector<2048xf32>
    %reduce_max3A_26 = vector.multi_reduction <maximumf>, %sub3A_25, %reduce_max3A [1] : vector<2048x1024xf32> to vector<2048xf32>
    %broadcast_in_dim3A_27 = vector.shape_cast %reduce_max3A_26 : vector<2048xf32> to vector<2048x1xf32>
    %eq3A = vector.broadcast %broadcast_in_dim3A_27 : vector<2048x1xf32> to vector<2048x1024xf32>
    %eq3A_28 = arith.cmpf oeq, %sub3A_25, %eq3A : vector<2048x1024xf32>
    %jit3A = arith.constant 8.192000e+03 : f32
    %broadcast_in_dim3A_29 = vector.broadcast %jit3A : f32 to vector<2048x1024xf32>
    %select_n3A = arith.select %eq3A_28, %convert_element_type3A, %broadcast_in_dim3A_29 : vector<2048x1024xi1>, vector<2048x1024xf32>
    %reduce_min3A = arith.constant dense<0x7F800000> : vector<2048xf32>
    %reduce_min3A_30 = vector.multi_reduction <minimumf>, %select_n3A, %reduce_min3A [1] : vector<2048x1024xf32> to vector<2048xf32>
    %broadcast_in_dim3A_31 = vector.shape_cast %reduce_min3A_30 : vector<2048xf32> to vector<2048x1xf32>
    %add3A = arith.constant 0.000000e+00 : f32
    %add3A_32 = vector.broadcast %add3A : f32 to vector<2048x1xf32>
    %add3A_33 = arith.addf %broadcast_in_dim3A_31, %add3A_32 : vector<2048x1xf32>
    %gt3A = arith.cmpf ogt, %broadcast_in_dim3A_27, %broadcast_in_dim3A_10 : vector<2048x1xf32>
    %select_n3A_34 = arith.select %gt3A, %broadcast_in_dim3A_27, %broadcast_in_dim3A_10 : vector<2048x1xi1>, vector<2048x1xf32>
    %select_n3A_35 = arith.select %gt3A, %add3A_33, %broadcast_in_dim3A_12 : vector<2048x1xi1>, vector<2048x1xf32>
    %get3A_36 = arith.constant 0 : index
    %get3A_37 = arith.constant 1024 : index
    %get3A_38 = vector.load %arg4[%get3A_36, %get3A_37] : memref<64x8192xf32, #tpu.memory_space<vmem>>, vector<64x1024xf32>
    %mul3A_39 = arith.mulf %get3A_38, %get3A_38 : vector<64x1024xf32>
    %reduce_sum3A_40 = arith.constant dense<0.000000e+00> : vector<1024xf32>
    %reduce_sum3A_41 = vector.multi_reduction <add>, %mul3A_39, %reduce_sum3A_40 [0] : vector<64x1024xf32> to vector<1024xf32>
    %broadcast_in_dim3A_42 = vector.shape_cast %reduce_sum3A_41 : vector<1024xf32> to vector<1x1024xf32>
    %mul3A_43 = arith.constant 5.000000e-01 : f32
    %mul3A_44 = vector.broadcast %mul3A_43 : f32 to vector<1x1024xf32>
    %mul3A_45 = arith.mulf %mul3A_44, %broadcast_in_dim3A_42 : vector<1x1024xf32>
    %dot_general3A_46 = arith.constant dense<0.000000e+00> : vector<2048x1024xf32>
    %dot_general3A_47 = tpu.matmul %dot_general3A_7, %get3A_38, %dot_general3A_46 {dimension_numbers = #tpu.dot_dimension_numbers<[1], [0], [0], [1], [0, 0, 1, 1], [], []>, transpose_lhs_hint = false} : vector<2048x64xf32>, vector<64x1024xf32>, vector<2048x1024xf32> -> vector<2048x1024xf32>
    %sub3A_48 = vector.broadcast %mul3A_45 : vector<1x1024xf32> to vector<2048x1024xf32>
    %sub3A_49 = arith.subf %dot_general3A_47, %sub3A_48 : vector<2048x1024xf32>
    %reduce_max3A_50 = arith.constant dense<0xFF800000> : vector<2048xf32>
    %reduce_max3A_51 = vector.multi_reduction <maximumf>, %sub3A_49, %reduce_max3A_50 [1] : vector<2048x1024xf32> to vector<2048xf32>
    %broadcast_in_dim3A_52 = vector.shape_cast %reduce_max3A_51 : vector<2048xf32> to vector<2048x1xf32>
    %eq3A_53 = vector.broadcast %broadcast_in_dim3A_52 : vector<2048x1xf32> to vector<2048x1024xf32>
    %eq3A_54 = arith.cmpf oeq, %sub3A_49, %eq3A_53 : vector<2048x1024xf32>
    %jit3A_55 = arith.constant 8.192000e+03 : f32
    %broadcast_in_dim3A_56 = vector.broadcast %jit3A_55 : f32 to vector<2048x1024xf32>
    %select_n3A_57 = arith.select %eq3A_54, %convert_element_type3A, %broadcast_in_dim3A_56 : vector<2048x1024xi1>, vector<2048x1024xf32>
    %reduce_min3A_58 = arith.constant dense<0x7F800000> : vector<2048xf32>
    %reduce_min3A_59 = vector.multi_reduction <minimumf>, %select_n3A_57, %reduce_min3A_58 [1] : vector<2048x1024xf32> to vector<2048xf32>
    %broadcast_in_dim3A_60 = vector.shape_cast %reduce_min3A_59 : vector<2048xf32> to vector<2048x1xf32>
    %add3A_61 = arith.constant 1.024000e+03 : f32
    %add3A_62 = vector.broadcast %add3A_61 : f32 to vector<2048x1xf32>
    %add3A_63 = arith.addf %broadcast_in_dim3A_60, %add3A_62 : vector<2048x1xf32>
    %gt3A_64 = arith.cmpf ogt, %broadcast_in_dim3A_52, %select_n3A_34 : vector<2048x1xf32>
    %select_n3A_65 = arith.select %gt3A_64, %broadcast_in_dim3A_52, %select_n3A_34 : vector<2048x1xi1>, vector<2048x1xf32>
    %select_n3A_66 = arith.select %gt3A_64, %add3A_63, %select_n3A_35 : vector<2048x1xi1>, vector<2048x1xf32>
    %get3A_67 = arith.constant 0 : index
    %get3A_68 = arith.constant 2048 : index
    %get3A_69 = vector.load %arg4[%get3A_67, %get3A_68] : memref<64x8192xf32, #tpu.memory_space<vmem>>, vector<64x1024xf32>
    %mul3A_70 = arith.mulf %get3A_69, %get3A_69 : vector<64x1024xf32>
    %reduce_sum3A_71 = arith.constant dense<0.000000e+00> : vector<1024xf32>
    %reduce_sum3A_72 = vector.multi_reduction <add>, %mul3A_70, %reduce_sum3A_71 [0] : vector<64x1024xf32> to vector<1024xf32>
    %broadcast_in_dim3A_73 = vector.shape_cast %reduce_sum3A_72 : vector<1024xf32> to vector<1x1024xf32>
    %mul3A_74 = arith.constant 5.000000e-01 : f32
    %mul3A_75 = vector.broadcast %mul3A_74 : f32 to vector<1x1024xf32>
    %mul3A_76 = arith.mulf %mul3A_75, %broadcast_in_dim3A_73 : vector<1x1024xf32>
    %dot_general3A_77 = arith.constant dense<0.000000e+00> : vector<2048x1024xf32>
    %dot_general3A_78 = tpu.matmul %dot_general3A_7, %get3A_69, %dot_general3A_77 {dimension_numbers = #tpu.dot_dimension_numbers<[1], [0], [0], [1], [0, 0, 1, 1], [], []>, transpose_lhs_hint = false} : vector<2048x64xf32>, vector<64x1024xf32>, vector<2048x1024xf32> -> vector<2048x1024xf32>
    %sub3A_79 = vector.broadcast %mul3A_76 : vector<1x1024xf32> to vector<2048x1024xf32>
    %sub3A_80 = arith.subf %dot_general3A_78, %sub3A_79 : vector<2048x1024xf32>
    %reduce_max3A_81 = arith.constant dense<0xFF800000> : vector<2048xf32>
    %reduce_max3A_82 = vector.multi_reduction <maximumf>, %sub3A_80, %reduce_max3A_81 [1] : vector<2048x1024xf32> to vector<2048xf32>
    %broadcast_in_dim3A_83 = vector.shape_cast %reduce_max3A_82 : vector<2048xf32> to vector<2048x1xf32>
    %eq3A_84 = vector.broadcast %broadcast_in_dim3A_83 : vector<2048x1xf32> to vector<2048x1024xf32>
    %eq3A_85 = arith.cmpf oeq, %sub3A_80, %eq3A_84 : vector<2048x1024xf32>
    %jit3A_86 = arith.constant 8.192000e+03 : f32
    %broadcast_in_dim3A_87 = vector.broadcast %jit3A_86 : f32 to vector<2048x1024xf32>
    %select_n3A_88 = arith.select %eq3A_85, %convert_element_type3A, %broadcast_in_dim3A_87 : vector<2048x1024xi1>, vector<2048x1024xf32>
    %reduce_min3A_89 = arith.constant dense<0x7F800000> : vector<2048xf32>
    %reduce_min3A_90 = vector.multi_reduction <minimumf>, %select_n3A_88, %reduce_min3A_89 [1] : vector<2048x1024xf32> to vector<2048xf32>
    %broadcast_in_dim3A_91 = vector.shape_cast %reduce_min3A_90 : vector<2048xf32> to vector<2048x1xf32>
    %add3A_92 = arith.constant 2.048000e+03 : f32
    %add3A_93 = vector.broadcast %add3A_92 : f32 to vector<2048x1xf32>
    %add3A_94 = arith.addf %broadcast_in_dim3A_91, %add3A_93 : vector<2048x1xf32>
    %gt3A_95 = arith.cmpf ogt, %broadcast_in_dim3A_83, %select_n3A_65 : vector<2048x1xf32>
    %select_n3A_96 = arith.select %gt3A_95, %broadcast_in_dim3A_83, %select_n3A_65 : vector<2048x1xi1>, vector<2048x1xf32>
    %select_n3A_97 = arith.select %gt3A_95, %add3A_94, %select_n3A_66 : vector<2048x1xi1>, vector<2048x1xf32>
    %get3A_98 = arith.constant 0 : index
    %get3A_99 = arith.constant 3072 : index
    %get3A_100 = vector.load %arg4[%get3A_98, %get3A_99] : memref<64x8192xf32, #tpu.memory_space<vmem>>, vector<64x1024xf32>
    %mul3A_101 = arith.mulf %get3A_100, %get3A_100 : vector<64x1024xf32>
    %reduce_sum3A_102 = arith.constant dense<0.000000e+00> : vector<1024xf32>
    %reduce_sum3A_103 = vector.multi_reduction <add>, %mul3A_101, %reduce_sum3A_102 [0] : vector<64x1024xf32> to vector<1024xf32>
    %broadcast_in_dim3A_104 = vector.shape_cast %reduce_sum3A_103 : vector<1024xf32> to vector<1x1024xf32>
    %mul3A_105 = arith.constant 5.000000e-01 : f32
    %mul3A_106 = vector.broadcast %mul3A_105 : f32 to vector<1x1024xf32>
    %mul3A_107 = arith.mulf %mul3A_106, %broadcast_in_dim3A_104 : vector<1x1024xf32>
    %dot_general3A_108 = arith.constant dense<0.000000e+00> : vector<2048x1024xf32>
    %dot_general3A_109 = tpu.matmul %dot_general3A_7, %get3A_100, %dot_general3A_108 {dimension_numbers = #tpu.dot_dimension_numbers<[1], [0], [0], [1], [0, 0, 1, 1], [], []>, transpose_lhs_hint = false} : vector<2048x64xf32>, vector<64x1024xf32>, vector<2048x1024xf32> -> vector<2048x1024xf32>
    %sub3A_110 = vector.broadcast %mul3A_107 : vector<1x1024xf32> to vector<2048x1024xf32>
    %sub3A_111 = arith.subf %dot_general3A_109, %sub3A_110 : vector<2048x1024xf32>
    %reduce_max3A_112 = arith.constant dense<0xFF800000> : vector<2048xf32>
    %reduce_max3A_113 = vector.multi_reduction <maximumf>, %sub3A_111, %reduce_max3A_112 [1] : vector<2048x1024xf32> to vector<2048xf32>
    %broadcast_in_dim3A_114 = vector.shape_cast %reduce_max3A_113 : vector<2048xf32> to vector<2048x1xf32>
    %eq3A_115 = vector.broadcast %broadcast_in_dim3A_114 : vector<2048x1xf32> to vector<2048x1024xf32>
    %eq3A_116 = arith.cmpf oeq, %sub3A_111, %eq3A_115 : vector<2048x1024xf32>
    %jit3A_117 = arith.constant 8.192000e+03 : f32
    %broadcast_in_dim3A_118 = vector.broadcast %jit3A_117 : f32 to vector<2048x1024xf32>
    %select_n3A_119 = arith.select %eq3A_116, %convert_element_type3A, %broadcast_in_dim3A_118 : vector<2048x1024xi1>, vector<2048x1024xf32>
    %reduce_min3A_120 = arith.constant dense<0x7F800000> : vector<2048xf32>
    %reduce_min3A_121 = vector.multi_reduction <minimumf>, %select_n3A_119, %reduce_min3A_120 [1] : vector<2048x1024xf32> to vector<2048xf32>
    %broadcast_in_dim3A_122 = vector.shape_cast %reduce_min3A_121 : vector<2048xf32> to vector<2048x1xf32>
    %add3A_123 = arith.constant 3.072000e+03 : f32
    %add3A_124 = vector.broadcast %add3A_123 : f32 to vector<2048x1xf32>
    %add3A_125 = arith.addf %broadcast_in_dim3A_122, %add3A_124 : vector<2048x1xf32>
    %gt3A_126 = arith.cmpf ogt, %broadcast_in_dim3A_114, %select_n3A_96 : vector<2048x1xf32>
    %select_n3A_127 = arith.select %gt3A_126, %broadcast_in_dim3A_114, %select_n3A_96 : vector<2048x1xi1>, vector<2048x1xf32>
    %select_n3A_128 = arith.select %gt3A_126, %add3A_125, %select_n3A_97 : vector<2048x1xi1>, vector<2048x1xf32>
    %get3A_129 = arith.constant 0 : index
    %get3A_130 = arith.constant 4096 : index
    %get3A_131 = vector.load %arg4[%get3A_129, %get3A_130] : memref<64x8192xf32, #tpu.memory_space<vmem>>, vector<64x1024xf32>
    %mul3A_132 = arith.mulf %get3A_131, %get3A_131 : vector<64x1024xf32>
    %reduce_sum3A_133 = arith.constant dense<0.000000e+00> : vector<1024xf32>
    %reduce_sum3A_134 = vector.multi_reduction <add>, %mul3A_132, %reduce_sum3A_133 [0] : vector<64x1024xf32> to vector<1024xf32>
    %broadcast_in_dim3A_135 = vector.shape_cast %reduce_sum3A_134 : vector<1024xf32> to vector<1x1024xf32>
    %mul3A_136 = arith.constant 5.000000e-01 : f32
    %mul3A_137 = vector.broadcast %mul3A_136 : f32 to vector<1x1024xf32>
    %mul3A_138 = arith.mulf %mul3A_137, %broadcast_in_dim3A_135 : vector<1x1024xf32>
    %dot_general3A_139 = arith.constant dense<0.000000e+00> : vector<2048x1024xf32>
    %dot_general3A_140 = tpu.matmul %dot_general3A_7, %get3A_131, %dot_general3A_139 {dimension_numbers = #tpu.dot_dimension_numbers<[1], [0], [0], [1], [0, 0, 1, 1], [], []>, transpose_lhs_hint = false} : vector<2048x64xf32>, vector<64x1024xf32>, vector<2048x1024xf32> -> vector<2048x1024xf32>
    %sub3A_141 = vector.broadcast %mul3A_138 : vector<1x1024xf32> to vector<2048x1024xf32>
    %sub3A_142 = arith.subf %dot_general3A_140, %sub3A_141 : vector<2048x1024xf32>
    %reduce_max3A_143 = arith.constant dense<0xFF800000> : vector<2048xf32>
    %reduce_max3A_144 = vector.multi_reduction <maximumf>, %sub3A_142, %reduce_max3A_143 [1] : vector<2048x1024xf32> to vector<2048xf32>
    %broadcast_in_dim3A_145 = vector.shape_cast %reduce_max3A_144 : vector<2048xf32> to vector<2048x1xf32>
    %eq3A_146 = vector.broadcast %broadcast_in_dim3A_145 : vector<2048x1xf32> to vector<2048x1024xf32>
    %eq3A_147 = arith.cmpf oeq, %sub3A_142, %eq3A_146 : vector<2048x1024xf32>
    %jit3A_148 = arith.constant 8.192000e+03 : f32
    %broadcast_in_dim3A_149 = vector.broadcast %jit3A_148 : f32 to vector<2048x1024xf32>
    %select_n3A_150 = arith.select %eq3A_147, %convert_element_type3A, %broadcast_in_dim3A_149 : vector<2048x1024xi1>, vector<2048x1024xf32>
    %reduce_min3A_151 = arith.constant dense<0x7F800000> : vector<2048xf32>
    %reduce_min3A_152 = vector.multi_reduction <minimumf>, %select_n3A_150, %reduce_min3A_151 [1] : vector<2048x1024xf32> to vector<2048xf32>
    %broadcast_in_dim3A_153 = vector.shape_cast %reduce_min3A_152 : vector<2048xf32> to vector<2048x1xf32>
    %add3A_154 = arith.constant 4.096000e+03 : f32
    %add3A_155 = vector.broadcast %add3A_154 : f32 to vector<2048x1xf32>
    %add3A_156 = arith.addf %broadcast_in_dim3A_153, %add3A_155 : vector<2048x1xf32>
    %gt3A_157 = arith.cmpf ogt, %broadcast_in_dim3A_145, %select_n3A_127 : vector<2048x1xf32>
    %select_n3A_158 = arith.select %gt3A_157, %broadcast_in_dim3A_145, %select_n3A_127 : vector<2048x1xi1>, vector<2048x1xf32>
    %select_n3A_159 = arith.select %gt3A_157, %add3A_156, %select_n3A_128 : vector<2048x1xi1>, vector<2048x1xf32>
    %get3A_160 = arith.constant 0 : index
    %get3A_161 = arith.constant 5120 : index
    %get3A_162 = vector.load %arg4[%get3A_160, %get3A_161] : memref<64x8192xf32, #tpu.memory_space<vmem>>, vector<64x1024xf32>
    %mul3A_163 = arith.mulf %get3A_162, %get3A_162 : vector<64x1024xf32>
    %reduce_sum3A_164 = arith.constant dense<0.000000e+00> : vector<1024xf32>
    %reduce_sum3A_165 = vector.multi_reduction <add>, %mul3A_163, %reduce_sum3A_164 [0] : vector<64x1024xf32> to vector<1024xf32>
    %broadcast_in_dim3A_166 = vector.shape_cast %reduce_sum3A_165 : vector<1024xf32> to vector<1x1024xf32>
    %mul3A_167 = arith.constant 5.000000e-01 : f32
    %mul3A_168 = vector.broadcast %mul3A_167 : f32 to vector<1x1024xf32>
    %mul3A_169 = arith.mulf %mul3A_168, %broadcast_in_dim3A_166 : vector<1x1024xf32>
    %dot_general3A_170 = arith.constant dense<0.000000e+00> : vector<2048x1024xf32>
    %dot_general3A_171 = tpu.matmul %dot_general3A_7, %get3A_162, %dot_general3A_170 {dimension_numbers = #tpu.dot_dimension_numbers<[1], [0], [0], [1], [0, 0, 1, 1], [], []>, transpose_lhs_hint = false} : vector<2048x64xf32>, vector<64x1024xf32>, vector<2048x1024xf32> -> vector<2048x1024xf32>
    %sub3A_172 = vector.broadcast %mul3A_169 : vector<1x1024xf32> to vector<2048x1024xf32>
    %sub3A_173 = arith.subf %dot_general3A_171, %sub3A_172 : vector<2048x1024xf32>
    %reduce_max3A_174 = arith.constant dense<0xFF800000> : vector<2048xf32>
    %reduce_max3A_175 = vector.multi_reduction <maximumf>, %sub3A_173, %reduce_max3A_174 [1] : vector<2048x1024xf32> to vector<2048xf32>
    %broadcast_in_dim3A_176 = vector.shape_cast %reduce_max3A_175 : vector<2048xf32> to vector<2048x1xf32>
    %eq3A_177 = vector.broadcast %broadcast_in_dim3A_176 : vector<2048x1xf32> to vector<2048x1024xf32>
    %eq3A_178 = arith.cmpf oeq, %sub3A_173, %eq3A_177 : vector<2048x1024xf32>
    %jit3A_179 = arith.constant 8.192000e+03 : f32
    %broadcast_in_dim3A_180 = vector.broadcast %jit3A_179 : f32 to vector<2048x1024xf32>
    %select_n3A_181 = arith.select %eq3A_178, %convert_element_type3A, %broadcast_in_dim3A_180 : vector<2048x1024xi1>, vector<2048x1024xf32>
    %reduce_min3A_182 = arith.constant dense<0x7F800000> : vector<2048xf32>
    %reduce_min3A_183 = vector.multi_reduction <minimumf>, %select_n3A_181, %reduce_min3A_182 [1] : vector<2048x1024xf32> to vector<2048xf32>
    %broadcast_in_dim3A_184 = vector.shape_cast %reduce_min3A_183 : vector<2048xf32> to vector<2048x1xf32>
    %add3A_185 = arith.constant 5.120000e+03 : f32
    %add3A_186 = vector.broadcast %add3A_185 : f32 to vector<2048x1xf32>
    %add3A_187 = arith.addf %broadcast_in_dim3A_184, %add3A_186 : vector<2048x1xf32>
    %gt3A_188 = arith.cmpf ogt, %broadcast_in_dim3A_176, %select_n3A_158 : vector<2048x1xf32>
    %select_n3A_189 = arith.select %gt3A_188, %broadcast_in_dim3A_176, %select_n3A_158 : vector<2048x1xi1>, vector<2048x1xf32>
    %select_n3A_190 = arith.select %gt3A_188, %add3A_187, %select_n3A_159 : vector<2048x1xi1>, vector<2048x1xf32>
    %get3A_191 = arith.constant 0 : index
    %get3A_192 = arith.constant 6144 : index
    %get3A_193 = vector.load %arg4[%get3A_191, %get3A_192] : memref<64x8192xf32, #tpu.memory_space<vmem>>, vector<64x1024xf32>
    %mul3A_194 = arith.mulf %get3A_193, %get3A_193 : vector<64x1024xf32>
    %reduce_sum3A_195 = arith.constant dense<0.000000e+00> : vector<1024xf32>
    %reduce_sum3A_196 = vector.multi_reduction <add>, %mul3A_194, %reduce_sum3A_195 [0] : vector<64x1024xf32> to vector<1024xf32>
    %broadcast_in_dim3A_197 = vector.shape_cast %reduce_sum3A_196 : vector<1024xf32> to vector<1x1024xf32>
    %mul3A_198 = arith.constant 5.000000e-01 : f32
    %mul3A_199 = vector.broadcast %mul3A_198 : f32 to vector<1x1024xf32>
    %mul3A_200 = arith.mulf %mul3A_199, %broadcast_in_dim3A_197 : vector<1x1024xf32>
    %dot_general3A_201 = arith.constant dense<0.000000e+00> : vector<2048x1024xf32>
    %dot_general3A_202 = tpu.matmul %dot_general3A_7, %get3A_193, %dot_general3A_201 {dimension_numbers = #tpu.dot_dimension_numbers<[1], [0], [0], [1], [0, 0, 1, 1], [], []>, transpose_lhs_hint = false} : vector<2048x64xf32>, vector<64x1024xf32>, vector<2048x1024xf32> -> vector<2048x1024xf32>
    %sub3A_203 = vector.broadcast %mul3A_200 : vector<1x1024xf32> to vector<2048x1024xf32>
    %sub3A_204 = arith.subf %dot_general3A_202, %sub3A_203 : vector<2048x1024xf32>
    %reduce_max3A_205 = arith.constant dense<0xFF800000> : vector<2048xf32>
    %reduce_max3A_206 = vector.multi_reduction <maximumf>, %sub3A_204, %reduce_max3A_205 [1] : vector<2048x1024xf32> to vector<2048xf32>
    %broadcast_in_dim3A_207 = vector.shape_cast %reduce_max3A_206 : vector<2048xf32> to vector<2048x1xf32>
    %eq3A_208 = vector.broadcast %broadcast_in_dim3A_207 : vector<2048x1xf32> to vector<2048x1024xf32>
    %eq3A_209 = arith.cmpf oeq, %sub3A_204, %eq3A_208 : vector<2048x1024xf32>
    %jit3A_210 = arith.constant 8.192000e+03 : f32
    %broadcast_in_dim3A_211 = vector.broadcast %jit3A_210 : f32 to vector<2048x1024xf32>
    %select_n3A_212 = arith.select %eq3A_209, %convert_element_type3A, %broadcast_in_dim3A_211 : vector<2048x1024xi1>, vector<2048x1024xf32>
    %reduce_min3A_213 = arith.constant dense<0x7F800000> : vector<2048xf32>
    %reduce_min3A_214 = vector.multi_reduction <minimumf>, %select_n3A_212, %reduce_min3A_213 [1] : vector<2048x1024xf32> to vector<2048xf32>
    %broadcast_in_dim3A_215 = vector.shape_cast %reduce_min3A_214 : vector<2048xf32> to vector<2048x1xf32>
    %add3A_216 = arith.constant 6.144000e+03 : f32
    %add3A_217 = vector.broadcast %add3A_216 : f32 to vector<2048x1xf32>
    %add3A_218 = arith.addf %broadcast_in_dim3A_215, %add3A_217 : vector<2048x1xf32>
    %gt3A_219 = arith.cmpf ogt, %broadcast_in_dim3A_207, %select_n3A_189 : vector<2048x1xf32>
    %select_n3A_220 = arith.select %gt3A_219, %broadcast_in_dim3A_207, %select_n3A_189 : vector<2048x1xi1>, vector<2048x1xf32>
    %select_n3A_221 = arith.select %gt3A_219, %add3A_218, %select_n3A_190 : vector<2048x1xi1>, vector<2048x1xf32>
    %get3A_222 = arith.constant 0 : index
    %get3A_223 = arith.constant 7168 : index
    %get3A_224 = vector.load %arg4[%get3A_222, %get3A_223] : memref<64x8192xf32, #tpu.memory_space<vmem>>, vector<64x1024xf32>
    %mul3A_225 = arith.mulf %get3A_224, %get3A_224 : vector<64x1024xf32>
    %reduce_sum3A_226 = arith.constant dense<0.000000e+00> : vector<1024xf32>
    %reduce_sum3A_227 = vector.multi_reduction <add>, %mul3A_225, %reduce_sum3A_226 [0] : vector<64x1024xf32> to vector<1024xf32>
    %broadcast_in_dim3A_228 = vector.shape_cast %reduce_sum3A_227 : vector<1024xf32> to vector<1x1024xf32>
    %mul3A_229 = arith.constant 5.000000e-01 : f32
    %mul3A_230 = vector.broadcast %mul3A_229 : f32 to vector<1x1024xf32>
    %mul3A_231 = arith.mulf %mul3A_230, %broadcast_in_dim3A_228 : vector<1x1024xf32>
    %dot_general3A_232 = arith.constant dense<0.000000e+00> : vector<2048x1024xf32>
    %dot_general3A_233 = tpu.matmul %dot_general3A_7, %get3A_224, %dot_general3A_232 {dimension_numbers = #tpu.dot_dimension_numbers<[1], [0], [0], [1], [0, 0, 1, 1], [], []>, transpose_lhs_hint = false} : vector<2048x64xf32>, vector<64x1024xf32>, vector<2048x1024xf32> -> vector<2048x1024xf32>
    %sub3A_234 = vector.broadcast %mul3A_231 : vector<1x1024xf32> to vector<2048x1024xf32>
    %sub3A_235 = arith.subf %dot_general3A_233, %sub3A_234 : vector<2048x1024xf32>
    %reduce_max3A_236 = arith.constant dense<0xFF800000> : vector<2048xf32>
    %reduce_max3A_237 = vector.multi_reduction <maximumf>, %sub3A_235, %reduce_max3A_236 [1] : vector<2048x1024xf32> to vector<2048xf32>
    %broadcast_in_dim3A_238 = vector.shape_cast %reduce_max3A_237 : vector<2048xf32> to vector<2048x1xf32>
    %eq3A_239 = vector.broadcast %broadcast_in_dim3A_238 : vector<2048x1xf32> to vector<2048x1024xf32>
    %eq3A_240 = arith.cmpf oeq, %sub3A_235, %eq3A_239 : vector<2048x1024xf32>
    %jit3A_241 = arith.constant 8.192000e+03 : f32
    %broadcast_in_dim3A_242 = vector.broadcast %jit3A_241 : f32 to vector<2048x1024xf32>
    %select_n3A_243 = arith.select %eq3A_240, %convert_element_type3A, %broadcast_in_dim3A_242 : vector<2048x1024xi1>, vector<2048x1024xf32>
    %reduce_min3A_244 = arith.constant dense<0x7F800000> : vector<2048xf32>
    %reduce_min3A_245 = vector.multi_reduction <minimumf>, %select_n3A_243, %reduce_min3A_244 [1] : vector<2048x1024xf32> to vector<2048xf32>
    %broadcast_in_dim3A_246 = vector.shape_cast %reduce_min3A_245 : vector<2048xf32> to vector<2048x1xf32>
    %add3A_247 = arith.constant 7.168000e+03 : f32
    %add3A_248 = vector.broadcast %add3A_247 : f32 to vector<2048x1xf32>
    %add3A_249 = arith.addf %broadcast_in_dim3A_246, %add3A_248 : vector<2048x1xf32>
    %gt3A_250 = arith.cmpf ogt, %broadcast_in_dim3A_238, %select_n3A_220 : vector<2048x1xf32>
    %select_n3A_251 = arith.select %gt3A_250, %broadcast_in_dim3A_238, %select_n3A_220 : vector<2048x1xi1>, vector<2048x1xf32>
    %select_n3A_252 = arith.select %gt3A_250, %add3A_249, %select_n3A_221 : vector<2048x1xi1>, vector<2048x1xf32>
    %squeeze3A = vector.shape_cast %select_n3A_252 : vector<2048x1xf32> to vector<2048xf32>
    %convert_element_type3A_253 = arith.fptosi %squeeze3A : vector<2048xf32> to vector<2048xi32>
    %swap3A = arith.constant 0 : index
    %swap3A_254 = arith.constant 0 : index
    %swap3A_255 = arith.constant 0 : index
    %swap3A_256 = vector.load %arg5[%swap3A, %swap3A_254, %swap3A_255] : memref<1x1x2048xi32, #tpu.memory_space<vmem>>, vector<1x1x2048xi32>
    %swap3A_257 = vector.shape_cast %swap3A_256 : vector<1x1x2048xi32> to vector<2048xi32>
    %swap3A_258 = vector.shape_cast %convert_element_type3A_253 : vector<2048xi32> to vector<1x1x2048xi32>
    tpu.vector_store %arg5[%swap3A, %swap3A_254, %swap3A_255], %swap3A_258 {strides = array<i32>} : memref<1x1x2048xi32, #tpu.memory_space<vmem>>, vector<1x1x2048xi32>,
    %eq3A_259 = arith.constant 0 : i32
    %eq3A_260 = arith.cmpi eq, %arg0, %eq3A_259 : i32
    %eq3A_261 = arith.constant 0 : i32
    %eq3A_262 = arith.cmpi eq, %arg1, %eq3A_261 : i32
    %and3A = arith.andi %eq3A_260, %eq3A_262 : i1
    %convert_element_type3A_263 = arith.extui %and3A : i1 to i32
    %cond3A = arith.constant 0 : i32
    %cond3A_264 = arith.cmpi ne, %convert_element_type3A_263, %cond3A : i32
    scf.if %cond3A_264 {
      %broadcast_in_dim3A_289 = arith.constant 0.000000e+00 : f32
      %broadcast_in_dim3A_290 = vector.broadcast %broadcast_in_dim3A_289 : f32 to vector<1x1xf32>
      %swap3A_291 = arith.constant 0 : index
      %swap3A_292 = arith.constant 0 : index
      %swap3A_293 = vector.load %arg6[%swap3A_291, %swap3A_292] : memref<1x1xf32, #tpu.memory_space<vmem>>, vector<1x1xf32>
      tpu.vector_store %arg6[%swap3A_291, %swap3A_292], %broadcast_in_dim3A_290 {strides = array<i32>} : memref<1x1xf32, #tpu.memory_space<vmem>>, vector<1x1xf32>,
    } else {
    }
    %get3A_265 = arith.constant 0 : index
    %get3A_266 = arith.constant 0 : index
    %get3A_267 = vector.load %arg6[%get3A_265, %get3A_266] : memref<1x1xf32, #tpu.memory_space<vmem>>, vector<1x1xf32>
    %mul3A_268 = arith.constant 2.000000e+00 : f32
    %mul3A_269 = vector.broadcast %mul3A_268 : f32 to vector<2048x1xf32>
    %mul3A_270 = arith.mulf %mul3A_269, %select_n3A_251 : vector<2048x1xf32>
    %sub3A_271 = arith.subf %broadcast_in_dim3A, %mul3A_270 : vector<2048x1xf32>
    %reduce_sum3A_272 = vector.shape_cast %sub3A_271 : vector<2048x1xf32> to vector<1x2048x1xf32>
    %reduce_sum3A_273 = arith.constant dense<0.000000e+00> : vector<1xf32>
    %reduce_sum3A_274 = vector.multi_reduction <add>, %reduce_sum3A_272, %reduce_sum3A_273 [1, 2] : vector<1x2048x1xf32> to vector<1xf32>
    %reduce_sum3A_275 = vector.shape_cast %reduce_sum3A_274 : vector<1xf32> to vector<1x1x1xf32>
    %reduce_sum3A_276 = vector.extract %reduce_sum3A_275[0, 0, 0] : f32 from vector<1x1x1xf32>
    %reshape3A = vector.broadcast %reduce_sum3A_276 : f32 to vector<1x1xf32>
    %add3A_277 = arith.addf %get3A_267, %reshape3A : vector<1x1xf32>
    %swap3A_278 = arith.constant 0 : index
    %swap3A_279 = arith.constant 0 : index
    %swap3A_280 = vector.load %arg6[%swap3A_278, %swap3A_279] : memref<1x1xf32, #tpu.memory_space<vmem>>, vector<1x1xf32>
    tpu.vector_store %arg6[%swap3A_278, %swap3A_279], %add3A_277 {strides = array<i32>} : memref<1x1xf32, #tpu.memory_space<vmem>>, vector<1x1xf32>,
    %eq3A_281 = arith.constant 7 : i32
    %eq3A_282 = arith.cmpi eq, %arg0, %eq3A_281 : i32
    %eq3A_283 = arith.constant 1 : i32
    %eq3A_284 = arith.cmpi eq, %arg1, %eq3A_283 : i32
    %and3A_285 = arith.andi %eq3A_282, %eq3A_284 : i1
    %convert_element_type3A_286 = arith.extui %and3A_285 : i1 to i32
    %cond3A_287 = arith.constant 0 : i32
    %cond3A_288 = arith.cmpi ne, %convert_element_type3A_286, %cond3A_287 : i32
    scf.if %cond3A_288 {
      %get3A_289 = arith.constant 0 : index
      %get3A_290 = arith.constant 0 : index
      %get3A_291 = vector.load %arg6[%get3A_289, %get3A_290] : memref<1x1xf32, #tpu.memory_space<vmem>>, vector<1x1xf32>
      %mul3A_292 = arith.constant 4.76837158E-7 : f32
      %mul3A_293 = vector.broadcast %mul3A_292 : f32 to vector<1x1xf32>
      %mul3A_294 = arith.mulf %get3A_291, %mul3A_293 : vector<1x1xf32>
      %swap3A_295 = arith.constant 0 : index
      %swap3A_296 = arith.constant 0 : index
      %swap3A_297 = vector.load %arg6[%swap3A_295, %swap3A_296] : memref<1x1xf32, #tpu.memory_space<vmem>>, vector<1x1xf32>
      tpu.vector_store %arg6[%swap3A_295, %swap3A_296], %mul3A_294 {strides = array<i32>} : memref<1x1xf32, #tpu.memory_space<vmem>>, vector<1x1xf32>,
    } else {
    }
    return
  }
  func.func @transform_0(%arg0: i32, %arg1: i32) -> (i32, i32) {
    %c0_i32 = arith.constant 0 : i32
    %c0_i32_0 = arith.constant 0 : i32
    return %arg0, %c0_i32 : i32, i32
  }
  func.func @transform_1(%arg0: i32, %arg1: i32) -> (i32, i32, i32) {
    %c0_i32 = arith.constant 0 : i32
    %c0_i32_0 = arith.constant 0 : i32
    %c0_i32_1 = arith.constant 0 : i32
    return %arg1, %c0_i32, %c0_i32_0 : i32, i32, i32
  }
  func.func @transform_2(%arg0: i32, %arg1: i32) -> (i32, i32) {
    %c0_i32 = arith.constant 0 : i32
    %c0_i32_0 = arith.constant 0 : i32
    %c0_i32_1 = arith.constant 0 : i32
    return %c0_i32, %c0_i32_0 : i32, i32
  }
  func.func @transform_3(%arg0: i32, %arg1: i32) -> (i32, i32, i32) {
    %mul3A = arith.constant 8 : i32
    %mul3A_0 = arith.muli %arg1, %mul3A : i32
    %add3A = arith.addi %mul3A_0, %arg0 : i32
    %c0_i32 = arith.constant 0 : i32
    %c0_i32_1 = arith.constant 0 : i32
    %c0_i32_2 = arith.constant 0 : i32
    return %add3A, %c0_i32, %c0_i32_1 : i32, i32, i32
  }
  func.func @transform_4(%arg0: i32, %arg1: i32) -> (i32, i32) {
    %c0_i32 = arith.constant 0 : i32
    %c0_i32_0 = arith.constant 0 : i32
    %c0_i32_1 = arith.constant 0 : i32
    return %c0_i32, %c0_i32_0 : i32, i32
  }
}

</mosaic_0001>

<sc_bundles>
// kernel: kernel.4.cloned.1.call-start
scs
__scs_entry_jumppad:
0x0: {  	(pc) =	sbr.rel $0x88, $3  }
0x1: {  	(tag) =	ssettag $0x0;
	lr =	simm.s32 $0x1  }
0x2: {  	[smem:$0x3F9E] =	sst lr;
	_ =	strace $0xD0000000  }
0x3: {  	_ = 	snop  }
0x4: {  	_ = 	snop  }
0x5: {  	_ = 	snop  }
0x6: {  	_ = 	snop  }
0x7: {  	_ = 	snop  }
__scs_overlays_trampoline_lowered:
0x8: {  	[smem:$0x3FAD] =	sst s0  }
0x9: {  	[smem:$0x3FAE] =	sst s1  }
0xa: {  	[smem:$0x3FAF] =	sst s2  }
0xb: {  	[smem:$0x3FB0] =	sst s3  }
0xc: {  	[smem:$0x3FB1] =	sst s4  }
0xd: {  	[smem:$0x3FB2] =	sst s5  }
0xe: {  	[smem:$0x3FB3] =	sst s6  }
0xf: {  	[smem:$0x3FB4] =	sst s7  }
0x10: {  	[smem:$0x3FB5] =	sst s8  }
0x11: {  	[smem:$0x3FB6] =	sst s9;
	s0 =	simm.s32 @!p0 $0x0  }
0x12: {  	s1 =	sld [smem:$0x3F9C];
	s0 =	simm.s32 @p0 $0x1  }
0x13: {  	[smem:$0x3FB7] =	sst s0;
	s0 =	simm.s32 @!p1 $0x0  }
0x14: {  	s2 =	sld [smem:$0x3F9B];
	s0 =	simm.s32 @p1 $0x1  }
0x15: {  	[smem:$0x3FB8] =	sst s0;
	s0 =	simm.s32 @!p2 $0x0  }
0x16: {  	s3 =	sld [smem:$0x3FDB];
	s0 =	simm.s32 @p2 $0x1  }
0x17: {  	s4 =	simm.s32 $0x1BF5;
	[smem:$0x3FBA] =	sst s0  }
0x18: {  	s0 =	sld [smem:$0x3F9D];
	_ =	swait.ge [sflag:s4], $0x0  }
0x19: {  	s7 =	sld [smem:$0x3F9E]  }
0x1a: {  	s8 =	sadd.s32 $0xFFFFE003, lr  }
0x1b: {  	s9 =	sadd.s32 $0xFFFFFEF7, lr;
	s5 =	simm.s32 $0xFFFFFFFF;
	p2 =	slt.u32 s8, $0xFFFFF086  }
0x1c: {  	p1 =	slt.u32 s9, $0xF7A;
	s5 =	simm.s32 @!p2 $0x0  }
0x1d: {  	s5 =	simm.s32 @p1 $0x1;
	p0 =	seq.s32 s7, s2  }
0x1e: {  	s7 =	smul.u32 @!p0 $0xF7A, s2;
	p2 =	seq.s32 @!p0 s5, $0x0  }
0x1f: {  	s9 =	smul.u32 $0xF7A, s1;
	s8 =	simm.s32 @!p0 $0x1BF5;
	p2 =	por !p2, p0  }
0x20: {  	[sflag:s8] =	ssyncset.s32 @!p0 $0xFFFFF086;
	s6 =	sadd.s32 @!p0 s3, s7;
	s7 =	simm.s32 @!p0 $0x108  }
0x21: {  	s3 =	sadd.s32 s3, s9;
	s6 =	sadd.s32 @!p0 $0x88, s6;
	s7 =	simm.s32 @p2 $0x1082  }
0x22: {  	[simem:s7], [sflag:s8] =	dma.local @!p0 [hbm:s6], $0xF7A  }
0x23: {  	s9 =	sor.u32 $0xD0000000, s2;
	s6 =	simm.s32 $0x108;
	_ =	swait.ge @!p0 [sflag:s8], $0x0  }
0x24: {  	s3 =	sadd.s32 $0x88, s3;
	s6 =	simm.s32 @!p1 $0x1082;
	[sflag:s4] =	ssyncset.s32 $0xFFFFF086  }
0x25: {  	[simem:s6], [sflag:s4] =	dma.local [hbm:s3], $0xF7A  }
0x26: {  	[smem:$0x3F9E] =	sst s1;
	(tag) =	ssettag s2;
	_ =	strace s9  }
0x27: {  	s1 =	sld [smem:$0x3FAE]  }
0x28: {  	s2 =	sld [smem:$0x3FAF]  }
0x29: {  	s4 =	sld [smem:$0x3FB1]  }
0x2a: {  	p0 =	seq.s32 s5, $0x0;
	s5 =	sld [smem:$0x3FB2]  }
0x2b: {  	s6 =	sld [smem:$0x3FB3]  }
0x2c: {  	s7 =	sld [smem:$0x3FB4]  }
0x2d: {  	s3 =	simm.s32 $0x108;
	s8 =	sld [smem:$0x3FB5]  }
0x2e: {  	s3 =	simm.s32 @!p0 $0x1082;
	s9 =	sld [smem:$0x3FB6]  }
0x2f: {  	lr =	sadd.s32 s0, s3;
	s0 =	sld [smem:$0x3FAD]  }
0x30: {  	s3 =	sld [smem:$0x3FB0]  }
0x31: {  	[smem:$0x3FB9] =	sst s10  }
0x32: {  	s10 =	sld [smem:$0x3FB7];
	_ =	sdelay $0x3  }
0x33: {  	p0 =	seq.s32 s10, $0x1;
	s10 =	sld [smem:$0x3FB9];
	_ =	sdelay $0x3  }
0x34: {  	[smem:$0x3FB9] =	sst s10  }
0x35: {  	s10 =	sld [smem:$0x3FB8];
	_ =	sdelay $0x3  }
0x36: {  	p1 =	seq.s32 s10, $0x1;
	s10 =	sld [smem:$0x3FB9];
	_ =	sdelay $0x3  }
0x37: {  	[smem:$0x3FB9] =	sst s10  }
0x38: {  	s10 =	sld [smem:$0x3FBA]  }
0x39: {  	_ = 	snop;
	(pc) =	sbr.ind lr, $3  }
0x3a: {  	_ = 	snop  }
0x3b: {  	_ = 	snop  }
0x3c: {  	p2 =	seq.s32 s10, $0x1;
	s10 =	sld [smem:$0x3FB9]  }
0x3d: {  	_ =	shalt  }
0x3e: {  	_ =	shalt  }
0x3f: {  	_ =	shalt  }
0x40: {  	_ =	shalt  }
0x41: {  	_ =	shalt  }
0x42: {  	_ =	shalt  }
0x43: {  	_ =	shalt  }
0x44: {  	_ =	shalt  }
0x45: {  	_ =	shalt  }
0x46: {  	_ =	shalt  }
0x47: {  	_ =	shalt  }
0x48: {  	_ =	shalt  }
0x49: {  	_ =	shalt  }
0x4a: {  	_ =	shalt  }
0x4b: {  	_ =	shalt  }
0x4c: {  	_ =	shalt  }
0x4d: {  	_ =	shalt  }
0x4e: {  	_ =	shalt  }
0x4f: {  	_ =	shalt  }
0x50: {  	_ =	shalt  }
0x51: {  	_ =	shalt  }
0x52: {  	_ =	shalt  }
0x53: {  	_ =	shalt  }
0x54: {  	_ =	shalt  }
0x55: {  	_ =	shalt  }
0x56: {  	_ =	shalt  }
0x57: {  	_ =	shalt  }
0x58: {  	_ =	shalt  }
0x59: {  	_ =	shalt  }
0x5a: {  	_ =	shalt  }
0x5b: {  	_ =	shalt  }
0x5c: {  	_ =	shalt  }
0x5d: {  	_ =	shalt  }
0x5e: {  	_ =	shalt  }
0x5f: {  	_ =	shalt  }
0x60: {  	_ =	shalt  }
0x61: {  	_ =	shalt  }
0x62: {  	_ =	shalt  }
0x63: {  	_ =	shalt  }
0x64: {  	_ =	shalt  }
0x65: {  	_ =	shalt  }
0x66: {  	_ =	shalt  }
0x67: {  	_ =	shalt  }
0x68: {  	_ =	shalt  }
0x69: {  	_ =	shalt  }
0x6a: {  	_ =	shalt  }
0x6b: {  	_ =	shalt  }
0x6c: {  	_ =	shalt  }
0x6d: {  	_ =	shalt  }
0x6e: {  	_ =	shalt  }
0x6f: {  	_ =	shalt  }
0x70: {  	_ =	shalt  }
0x71: {  	_ =	shalt  }
0x72: {  	_ =	shalt  }
0x73: {  	_ =	shalt  }
0x74: {  	_ =	shalt  }
0x75: {  	_ =	shalt  }
0x76: {  	_ =	shalt  }
0x77: {  	_ =	shalt  }
0x78: {  	_ =	shalt  }
0x79: {  	_ =	shalt  }
0x7a: {  	_ =	shalt  }
0x7b: {  	_ =	shalt  }
0x7c: {  	_ =	shalt  }
0x7d: {  	_ =	shalt  }
0x7e: {  	_ =	shalt  }
0x7f: {  	_ =	shalt  }
0x80: {  	_ =	shalt  }
0x81: {  	_ =	shalt  }
0x82: {  	_ =	shalt  }
0x83: {  	_ =	shalt  }
0x84: {  	_ =	shalt  }
0x85: {  	_ =	shalt  }
0x86: {  	_ =	shalt  }
0x87: {  	_ =	shalt  }
.Lfunc_end0:
.L_simem_size_0:
called_computation_lowered:
.L_overlay_start_0:
0x88: {  	s2 =	sld [smem:$0x3FD9]  }
0x89: {  	s3 =	sld [smem:$0x3FFE];
	_ =	sdelay $0x1  }
0x8a: {  	s1 =	srdreg.scid  }
0x8b: {  	s0 =	sand.u32 $0x1, s1  }
0x8c: {  	s14 =	sshll.u32 s0, $0xA;
	s2 =	sadd.s32 s3, s2  }
0x8d: {  	s2 =	sadd.s32 s2, s14  }
0x8e: {  	[smem:$0x3FC5] =	sst s2  }
0x8f: {  	_ = 	snop  }
0x90: {  	s2 =	sld [smem:$0x3FD0];
	_ =	sdelay $0x2  }
0x91: {  	s15 =	simm.s32 $0xA;
	s4 =	simm.s32 $0x10  }
0x92: {  	[smem:s4], [sflag:s15] =	dma.local [hbm:s2], $0x1  }
0x93: {  	_ =	swait.eq [sflag:s15], $0x1  }
0x94: {  	[sflag:s15] =	ssyncset.done $0x0  }
0x95: {  	[sflag:s15] =	ssyncadd.s32 $0xFFFFFFFF  }
0x96: {  	s16 =	sld [smem:$0x10];
	(tm) =	ssettm $0x1  }
0x97: {  	s17 =	sld [smem:$0x3FFB];
	_ =	sdelay $0x3  }
0x98: {  	_ =	strace s17  }
0x99: {  	s3 =	sld [smem:$0x3FFC];
	_ =	sdelay $0x3  }
0x9a: {  	_ =	strace s3  }
0x9b: {  	s3 =	sld [smem:$0x3FFD];
	_ =	sdelay $0x3  }
0x9c: {  	_ =	strace s3  }
0x9d: {  	_ =	strace $0x8FFFFFFF  }
0x9e: {  	s18 =	sld [smem:$0x3FDB];
	_ =	sdelay $0x1  }
0x9f: {  	s19 =	simm.s32 $_scs_section_size  }
0xa0: {  	s5 =	simm.s32 $_size__tile_overlayer_lowered;
	s6 =	simm.s32 $_tile_overlayer_lowered  }
0xa1: {  	s22 =	simm.s32 $0x1BFF;
	s21 =	sshll.u32 s6, $0x1;
	s3 =	sadd.s32 s19, s18  }
0xa2: {  	s7 =	simm.s32 $0x0;
	s20 =	sshll.u32 s5, $0x1;
	s5 =	sadd.s32 s21, s3  }
0xa3: {  	[timem:s7], [sflag:s22] =	dma.local [hbm:s5], s20  }
0xa4: {  	_ =	swait.ge [sflag:s22], s20  }
0xa5: {  	s4 =	ssub.s32 $0x0, s20;
	[sflag:s22] =	ssyncset.done $0x0  }
0xa6: {  	[sflag:s22] =	ssyncadd.s32 s4;
	_ =	sdelay $0x1  }
0xa7: {  	s23 =	simm.s32 $0x1B8B  }
0xa8: {  	_ =	swait.ge [sflag:s23], $0x1  }
0xa9: {  	[sflag:s23] =	ssyncset.done $0x0  }
0xaa: {  	s25 =	simm.s32 $0x1B8E;
	s24 =	sld [smem:$0x3FFE];
	[sflag:s23] =	ssyncadd.s32 $0xFFFFFFFF  }
0xab: {  	s26 =	simm.s32 $execute0_lowered;
	[smem:$0x3FD2] =	sst s25  }
0xac: {  	s5 =	sshll.u32 s26, $0x1;
	_ =	strace $0x80000046;
	[dreg:$0x1] =	wrdreg $0xFFFFFFFF  }
0xad: {  	s28 =	simm.s32 $_size_execute0_lowered;
	s3 =	sadd.s32 s3, s5;
	[dreg:$0x0] =	wrdreg $0x0  }
0xae: {  	s5 =	sshll.u32 s28, $0x1;
	[dreg:$0x2] =	wrdreg s3  }
0xaf: {  	[dreg:$0x3] =	wrdreg s5  }
0xb0: {  	[dreg:$0x4] =	wrdreg $0xC0  }
0xb1: {  	_ =	task [dreg:s7], $0x5FFFF  }
0xb2: {  	[dreg:$0x1] =	wrdreg $0xFFFFFFFF  }
0xb3: {  	[dreg:$0x0] =	wrdreg $0x60  }
0xb4: {  	[dreg:$0x2] =	wrdreg s24  }
0xb5: {  	[dreg:$0x3] =	wrdreg s16  }
0xb6: {  	[dreg:$0x4] =	wrdreg $0x9  }
0xb7: {  	_ =	task.clear_ibuf [dreg:s7], $0x5FFFF;
	_ =	strace $0x90000046  }
0xb8: {  	s29 =	simm.s32 $0x9;
	_ =	strace $0x80000048  }
0xb9: {  	_ =	swait.ge [sflag:s29], $0x1  }
0xba: {  	[sflag:s29] =	ssyncadd.s32 $0xFFFFFFFF  }
0xbb: {  	_ =	strace $0x90000048  }
0xbc: {  	_ =	sfence  }
0xbd: {  	s30 =	sld [smem:$0x0];
	_ =	sdelay $0x2  }
0xbe: {  	s31 =	sshll.u32 s1, $0xD;
	s1 =	sshrl.u32 s1, $0x2  }
0xbf: {  	s3 =	sand.u32 $0x4000, s31;
	s1 =	sadd.s32 s1, s30  }
0xc0: {  	s0 =	sor.u32 s3, s0;
	s1 =	sshll.u32 s1, $0x11  }
0xc1: {  	s0 =	sor.u32 s1, s0  }
0xc2: {  	s0 =	sadd.s32 $0x8F2B, s0  }
0xc3: {  	[sflag:s0] =	ssyncadd.remote.s32 $0x1  }
0xc4: {  	_ =	sfence.sel $0xFFFF  }
0xc5: {  	[dreg:$0x0] =	wrdreg $0xFFFFFFFF;
	(pc) =	sbr.abs _section_cstart, $3  }
0xc6: {  	[dreg:$0x1] =	wrdreg $0xFFFFFFFF  }
0xc7: {  	_ =	task.clear_ibuf [dreg:s7], $0x2FFFF;
	_ =	strace $0x9FFFFFFF  }
0xc8: {  	(tm) =	ssettm $0x7FFFFFFF  }
0xc9: {  	_ =	shalt  }
tec
execute0_lowered:
.L_overlay_start_1:
0x0: {  	(tag) =	ssettag $0x1  }
0x1: {  	s1 =	srdreg.scid  }
0x2: {  	s0 =	stileid.u32;
	s6 =	sand.u32 $0x1, s1  }
0x3: {  	s5 =	rddreg [dreg:$0x0];
	s30 =	sshll.u32 s0, $0xB;
	s2 =	sshll.u32 s6, $0xA  }
0x4: {  	s8 =	rddreg [dreg:$0x1];
	s9 =	sor.u32 s2, s30  }
0x5: {  	s1 =	rddreg [dreg:$0x2];
	s2 =	simm.s32 $0x0;
	s3 =	sshrl.u32 s9, $0x3  }
0x6: {  	s10 =	ssub.s32 $0x2, s6;
	[smem:$0x7FF] =	sst s2;
	s3 =	sadd.s32 s3, s5  }
0x7: {  	_ =	strace $0x80000047;
	s4 =	sadd.s32 $0x10600, s3;
	s3 =	simm.s32 $0x2  }
0x8: {  	[tilespmem:s2], [sflag:$0x2] =	stream.linear.gather [hbm4b:s4+s2], $0x400, $0x38;
	[tilespmem:$0x10400] =	vst v63  }
0x9: {  	s7 =	simm.s32 $0x1;
	s11 =	sshrl.u32 s10, $0x1;
	_ =	swait.ge [sflag:s3], $0x400  }
0xa: {  	s6 =	simm.s32 $0x400;
	s10 =	ssub.s32 s10, s11;
	[sflag:s3] =	ssyncset.done $0x0  }
0xb: {  	s5 =	sadd.s32 $0x600, s5;
	s31 =	smax.u32 s10, $0x1;
	[sflag:s3] =	ssyncadd.s32 $0xFFFFFC00  }
0xc: {  	[tilespmem:s6], [sflag:$0x1] =	stream.indirect.gather [hbm4b:s5+s6], $0x40, s2, s6, $0xb8;
	[tilespmem:$0x10400] =	vst v63  }
0xd: {  	p0 =	sne.s32 s31, $0x1;
	_ =	swait.ge [sflag:s7], $0x10000  }
.Ltmp0:
0xe: {  	s9 =	sshll.u32 s9, $0x3;
	[sflag:s7] =	ssyncset.done $0x0;
	(pc) =	sbr.rel @!p0 .LBB2_2-.Ltmp0, $4  }
0xf: {  	s8 =	sadd.s32 s8, s9;
	[sflag:s7] =	ssyncadd.s32 $0xFFFF0000  }
0x10: {  	[hbm4b:s8+s2] =	stream.linear.scatter [tilespmem:s6], [sflag:$0x2], $0x10000, $0x38;
	[tilespmem:$0x10400] =	vst v63  }
0x11: {  	_ =	swait.ge [sflag:s3], $0x10000  }
0x12: {  	s9 =	sadd.s32 $0xFFFFFFFF, s31;
	[sflag:s3] =	ssyncset.done $0x0  }
.LBB2_1:
0x13: {  	p0 =	sne.s32 s9, $0x1;
	s9 =	sadd.s32 $0xFFFFFFFF, s9;
	[sflag:s3] =	ssyncadd.s32 $0xFFFF0000  }
0x14: {  	[tilespmem:s2], [sflag:$0x2] =	stream.linear.gather [hbm4b:s4+s2], $0x400, $0x38;
	[tilespmem:$0x10400] =	vst v63  }
0x15: {  	_ =	swait.ge [sflag:s3], $0x400  }
0x16: {  	[sflag:s3] =	ssyncset.done $0x0  }
0x17: {  	[sflag:s3] =	ssyncadd.s32 $0xFFFFFC00  }
0x18: {  	[tilespmem:s6], [sflag:$0x1] =	stream.indirect.gather [hbm4b:s5+s6], $0x40, s2, s6, $0xb8;
	[tilespmem:$0x10400] =	vst v63  }
0x19: {  	_ =	swait.ge [sflag:s7], $0x10000  }
.Ltmp1:
0x1a: {  	[sflag:s7] =	ssyncset.done $0x0;
	(pc) =	sbr.rel @p0 .LBB2_1-.Ltmp1, $4  }
0x1b: {  	[sflag:s7] =	ssyncadd.s32 $0xFFFF0000  }
0x1c: {  	[hbm4b:s8+s2] =	stream.linear.scatter [tilespmem:s6], [sflag:$0x2], $0x10000, $0x38;
	[tilespmem:$0x10400] =	vst v63  }
0x1d: {  	_ =	swait.ge [sflag:s3], $0x10000  }
0x1e: {  	[sflag:s3] =	ssyncset.done $0x0  }
.LBB2_2:
0x1f: {  	[sflag:s3] =	ssyncadd.s32 $0xFFFF0000  }
0x20: {  	_ =	sfence.sel $0x180000  }
0x21: {  	[bflag:$0x0] =	sbarrier.arrive $0xFFFF  }
0x22: {  	p0 =	sne.s32 s0, $0x0;
	_ =	strace $0x90000047  }
0x23: {  	s0 =	sadd.s32 @!p0 $0x100000, s1;
	[bflag:$0x2] =	sbarrier.arrive $0xFFFF  }
0x24: {  	[sflag:s0] =	ssyncadd.tile.s32 @!p0 $0x1;
	_ =	shalt  }
.Lfunc_end2:
_tile_overlayer_lowered:
.L_overlay_start_2:
0x25: {  	(tag) =	ssettag $0x2  }
0x26: {  	s0 =	rddreg [dreg:$0x0];
	s2 =	stileid.u32  }
0x27: {  	s1 =	rddreg [dreg:$0x1];
	p0 =	sne.s32 s2, $0x0  }
0x28: {  	s3 =	rddreg [dreg:$0x2];
	[bflag:$0x3] =	sbarrier.arrive $0xFFFF;
	s2 =	simm.s32 @!p0 $0x1C02  }
0x29: {  	[timem:s3], [sflag:s2] =	dma.local @!p0 [hbm:s0], s1  }
0x2a: {  	s0 =	simm.s32 @!p0 $0x2  }
0x2b: {  	_ =	swait.ge @!p0 [sflag:s0], s1  }
0x2c: {  	s1 =	ssub.s32 @!p0 $0x0, s1;
	[sflag:s0] =	ssyncset.done @!p0 $0x0  }
0x2d: {  	[sflag:s0] =	ssyncadd.s32 @!p0 s1  }
0x2e: {  	[bflag:$0x3] =	sbarrier.arrive $0xFFFF  }
0x2f: {  	_ =	shalt  }

</sc_bundles>
